<compile_context>
chip_gen: v7x
topology: tpu7x:2x2x1
jax: 0.10.2.dev20260603
libtpu: 0.0.44.dev20260713+nightly
codegen_flags: <defaults>
</compile_context>

<pallas_src>
import functools

import jax
import jax.numpy as jnp
from jax import lax
from jax.experimental import pallas as pl
from jax.experimental.pallas import tpu as pltpu
from jax.experimental.pallas import tpu_sc as plsc

EPS = 1e-5
NEG = -1e30

N_NODES = 10000
N_EDGES = 160000
NW = 32
NPT = 320
SCAN = 2000
ROUNDS = N_EDGES // SCAN


CHUNK = 32
PADSCAN = 2176
_SC_PARAMS = None


def _sc_params():
    global _SC_PARAMS
    if _SC_PARAMS is None:
        _SC_PARAMS = dict(
            mesh=plsc.VectorSubcoreMesh(core_axis_name="c", subcore_axis_name="s"),
            compiler_params=pltpu.CompilerParams(needs_layout_passes=False),
        )
    return _SC_PARAMS


def _partition_body(dst_hbm, eids_hbm, dls_hbm, nch_hbm,
                    dstbuf, eidbuf, dlbuf, nchbuf):
    lane = jnp.arange(16, dtype=jnp.int32)
    wid = lax.axis_index("s") * 2 + lax.axis_index("c")
    lo = wid * NPT

    def round_body(r, _):
        rbase = r * SCAN
        pltpu.sync_copy(dst_hbm.at[pl.ds(rbase, SCAN)], dstbuf)

        def scan_vec(v, ptr):
            dv = dstbuf[pl.ds(v * 16, 16)]
            m = (dv >= lo) & (dv < lo + NPT)
            eids = rbase + v * 16 + lane
            csum = jnp.cumsum(m.astype(jnp.int32))
            pos = ptr + csum - 1
            plsc.store_scatter(eidbuf, [pos], eids, mask=m)
            plsc.store_scatter(dlbuf, [pos], dv - lo, mask=m)
            return ptr + jnp.max(csum)

        ptr = lax.fori_loop(0, SCAN // 16, scan_vec, 0)
        for t in range(CHUNK // 16):
            eidbuf[pl.ds(ptr + t * 16, 16)] = jnp.zeros((16,), jnp.int32)
            dlbuf[pl.ds(ptr + t * 16, 16)] = jnp.full((16,), NPT, jnp.int32)
        nchbuf[pl.ds(r * 16, 16)] = jnp.full((16,), 0, jnp.int32) + (
            (ptr + CHUNK - 1) // CHUNK)
        pltpu.sync_copy(
            eidbuf, eids_hbm.at[pl.ds((wid * ROUNDS + r) * PADSCAN, PADSCAN)])
        pltpu.sync_copy(
            dlbuf, dls_hbm.at[pl.ds((wid * ROUNDS + r) * PADSCAN, PADSCAN)])
        return 0

    lax.fori_loop(0, ROUNDS, round_body, 0)
    pltpu.sync_copy(nchbuf, nch_hbm.at[pl.ds(wid * ROUNDS * 16, ROUNDS * 16)])


@jax.jit
def _partition_sc(dst):
    f = pl.kernel(
        _partition_body,
        out_type=(
            jax.ShapeDtypeStruct((NW * ROUNDS * PADSCAN,), jnp.int32),
            jax.ShapeDtypeStruct((NW * ROUNDS * PADSCAN,), jnp.int32),
            jax.ShapeDtypeStruct((NW * ROUNDS * 16,), jnp.int32),
        ),
        scratch_types=[
            pltpu.VMEM((SCAN,), jnp.int32),
            pltpu.VMEM((PADSCAN,), jnp.int32),
            pltpu.VMEM((PADSCAN,), jnp.int32),
            pltpu.VMEM((ROUNDS * 16,), jnp.int32),
        ],
        **_sc_params(),
    )
    return f(dst)


def _seg_max_body(F):
    ngrp = F // 16

    def body(z_hbm, eids_hbm, dls_hbm, nch_hbm, mz_hbm,
             eidbuf, dlbuf, nchbuf, idx, rows, acc, sem):
        nsub = CHUNK // 16
        lane = jnp.arange(16, dtype=jnp.int32)
        wid = lax.axis_index("s") * 2 + lax.axis_index("c")
        lo = wid * NPT
        neg = jnp.full((16,), NEG, jnp.float32)

        def init_row(i, _):
            for g in range(ngrp):
                acc[i, pl.ds(g * 16, 16)] = neg
            return 0

        lax.fori_loop(0, NPT + 1, init_row, 0)
        pltpu.sync_copy(nch_hbm.at[pl.ds(wid * ROUNDS * 16, ROUNDS * 16)],
                        nchbuf)

        def round_body(r, _):
            pltpu.sync_copy(
                eids_hbm.at[pl.ds((wid * ROUNDS + r) * PADSCAN, PADSCAN)],
                eidbuf)
            pltpu.sync_copy(
                dls_hbm.at[pl.ds((wid * ROUNDS + r) * PADSCAN, PADSCAN)],
                dlbuf)
            nch = jnp.max(nchbuf[pl.ds(r * 16, 16)])

            def chunk_body(c, _):
                handles = []
                for t in range(nsub):
                    idx[t][...] = eidbuf[pl.ds(c * CHUNK + t * 16, 16)]
                    handles.append(
                        pltpu.async_copy(z_hbm.at[idx[t]], rows[t], sem[t]))
                for t in range(nsub):
                    handles[t].wait()
                    dlv = dlbuf[pl.ds(c * CHUNK + t * 16, 16)]
                    rt = rows[t]

                    def row_body(rr, _, dlv=dlv, rt=rt):
                        dlb = jnp.take(dlv, jnp.full((16,), rr, jnp.int32))
                        for g in range(ngrp):
                            col = g * 16 + lane
                            cur = plsc.load_gather(acc, [dlb, col])
                            val = rt[rr, pl.ds(g * 16, 16)]
                            plsc.store_scatter(acc, [dlb, col],
                                               jnp.maximum(cur, val))
                        return 0

                    lax.fori_loop(0, 16, row_body, 0)
                return 0

            lax.fori_loop(0, nch, chunk_body, 0)
            return 0

        lax.fori_loop(0, ROUNDS, round_body, 0)
        pltpu.sync_copy(acc.at[pl.ds(0, NPT)], mz_hbm.at[pl.ds(lo, NPT)])

    return body


@functools.partial(jax.jit, static_argnames=("F",))
def _seg_max_sc(z, part, F):
    if F < 128:
        z = jnp.pad(z, ((0, 0), (0, 128 - F)))
        return _seg_max_sc(z, part, 128)[:, :F]
    eids, dls, nch = part
    f = pl.kernel(
        _seg_max_body(F),
        out_type=jax.ShapeDtypeStruct((NW * NPT, F), jnp.float32),
        scratch_types=[
            pltpu.VMEM((PADSCAN,), jnp.int32),
            pltpu.VMEM((PADSCAN,), jnp.int32),
            pltpu.VMEM((ROUNDS * 16,), jnp.int32),
            [pltpu.VMEM((16,), jnp.int32) for _ in range(CHUNK // 16)],
            [pltpu.VMEM((16, F), jnp.float32) for _ in range(CHUNK // 16)],
            pltpu.VMEM((NPT + 1, F), jnp.float32),
            [pltpu.SemaphoreType.DMA for _ in range(CHUNK // 16)],
        ],
        **_sc_params(),
    )
    return f(z, eids, dls, nch)


def _bn(h, m, v, g, b):
    return (h - m) * lax.rsqrt(v + EPS) * g + b


def kernel(x, params, edge_index, batch):
    p = params
    src = edge_index[0]
    dst = edge_index[1]
    n = x.shape[0]
    e_cnt = src.shape[0]
    fE = jnp.float32(e_cnt)
    part = _partition_sc(dst)

    def econv_emul(h, w1, b1, g1, be1, w2, b2, g2, be2):
        hi = h[dst]
        hj = h[src]
        e = jnp.concatenate([hi, hj - hi], axis=-1).astype(jnp.bfloat16)
        h1 = jnp.matmul(e, w1.astype(jnp.bfloat16),
                        preferred_element_type=jnp.float32) + b1
        m1 = jnp.mean(h1, axis=0)
        v1 = jnp.var(h1, axis=0)
        u = jnp.maximum(_bn(h1, m1, v1, g1, be1), 0.0).astype(jnp.bfloat16)
        z = jnp.matmul(u, w2.astype(jnp.bfloat16),
                       preferred_element_type=jnp.float32) + b2
        m2 = jnp.mean(z, axis=0)
        v2 = jnp.var(z, axis=0)
        mz = _seg_max_sc(z, part, z.shape[1])[:n]
        out = jnp.maximum(_bn(mz, m2, v2, g2, be2), 0.0)
        return jnp.where(mz[:, :1] > NEG * 0.5, out, 0.0)

    h1 = econv_emul(x, p["c1w1"], p["c1b1"], p["c1g1"], p["c1e1"],
                    p["c1w2"], p["c1b2"], p["c1g2"], p["c1e2"])
    h2 = econv_emul(h1, p["c2w1"], p["c2b1"], p["c2g1"], p["c2e1"],
                    p["c2w2"], p["c2b2"], p["c2g2"], p["c2e2"])
    def econv_last_emul(h, w1, b1, g1, be1):
        hi = h[dst]
        hj = h[src]
        e = jnp.concatenate([hi, hj - hi], axis=-1).astype(jnp.bfloat16)
        h1 = jnp.matmul(e, w1.astype(jnp.bfloat16),
                        preferred_element_type=jnp.float32) + b1
        m1 = jnp.mean(h1, axis=0)
        v1 = jnp.var(h1, axis=0)
        mz = _seg_max_sc(h1, part, h1.shape[1])[:n]
        out = jnp.maximum(_bn(mz, m1, v1, g1, be1), 0.0)
        return jnp.where(mz[:, :1] > NEG * 0.5, out, 0.0)

    h3 = econv_last_emul(h2, p["c3w1"], p["c3b1"], p["c3g1"], p["c3e1"])

    seg_starts = jnp.searchsorted(batch, jnp.arange(65, dtype=jnp.int32))
    bcnt = jnp.diff(seg_starts).astype(jnp.float32)
    summed = jnp.zeros((64, h3.shape[1]), jnp.float32).at[batch].add(h3)
    gmean = summed / jnp.clip(bcnt, 1.0)[:, None]
    gmax = jnp.zeros((64, h3.shape[1]), jnp.float32).at[batch].max(h3)
    feat = jnp.concatenate([gmean, gmax], axis=-1)

    h = jnp.maximum(_bn(feat @ p["fw1"] + p["fb1"],
                        jnp.mean(feat @ p["fw1"] + p["fb1"], axis=0),
                        jnp.var(feat @ p["fw1"] + p["fb1"], axis=0),
                        p["fg1"], p["fe1"]), 0.0)
    h = jnp.maximum(h @ p["fw2"] + p["fb2"], 0.0)
    logits = h @ p["fw3"] + p["fb3"]
    return jax.nn.log_softmax(logits, axis=1)

# --- scband reference (transcript-rebuilt; emitter-appended) ---
"""Pipeline reference for scband-edge-conv-net-8134668059110 (READ-ONLY COPY).

The authoritative reference and input builder live on the scoring server;
editing this copy changes nothing except your own understanding.
"""

import jax, jax.numpy as jnp
import numpy as np

N = 10000
E = 160000
B = 64
C_IN = 5
EPS = 1e-5

def _bn(h, g, b):
    m = jnp.mean(h, axis=0, keepdims=True)
    v = jnp.var(h, axis=0, keepdims=True)
    return (h - m) / jnp.sqrt(v + EPS) * g + b

def _lin(key, fin, fout):
    return jax.random.normal(key, (fin, fout), dtype=jnp.float32) * (1.0 / np.sqrt(fin))

def setup_inputs(seed: int = 0):
    key = jax.random.key(seed)
    ks = jax.random.split(key, 12)
    x = jax.random.normal(ks[0], (N, C_IN), dtype=jnp.float32)
    edge_index = jax.random.randint(ks[1], (2, E), 0, N, dtype=jnp.int32)
    batch = jnp.sort(jax.random.randint(ks[2], (N,), 0, B, dtype=jnp.int32))
    z = lambda d: jnp.zeros((d,), jnp.float32)
    o = lambda d: jnp.ones((d,), jnp.float32)
    params = {
        "c1w1": _lin(ks[3], 2 * C_IN, 64), "c1b1": z(64), "c1g1": o(64), "c1e1": z(64),
        "c1w2": _lin(ks[4], 64, 64), "c1b2": z(64), "c1g2": o(64), "c1e2": z(64),
        "c2w1": _lin(ks[5], 128, 128), "c2b1": z(128), "c2g1": o(128), "c2e1": z(128),
        "c2w2": _lin(ks[6], 128, 128), "c2b2": z(128), "c2g2": o(128), "c2e2": z(128),
        "c3w1": _lin(ks[7], 256, 256), "c3b1": z(256), "c3g1": o(256), "c3e1": z(256),
        "fw1": _lin(ks[8], 512, 256), "fb1": z(256), "fg1": o(256), "fe1": z(256),
        "fw2": _lin(ks[9], 256, 64), "fb2": z(64),
        "fw3": _lin(ks[10], 64, 2), "fb3": z(2),
    }
    return {"x": x, "params": params, "edge_index": edge_index, "batch": batch}

def _forward(x, params, edge_index, batch):
    src = edge_index[0]
    dst = edge_index[1]
    n = x.shape[0]
    p = params

    def econv(h, layers):
        hi = h[dst]
        hj = h[src]
        e = jnp.concatenate([hi, hj - hi], axis=-1)
        for (w, b, g, be) in layers:
            e = jax.nn.relu(_bn(e @ w + b, g, be))
        # max aggregation at dst; messages are >= 0 after ReLU so zero-init
        # scatter-max matches PyG semantics (0 fill for isolated nodes)
        return jnp.zeros((n, e.shape[-1]), e.dtype).at[dst].max(e)

    x = econv(x, [(p["c1w1"], p["c1b1"], p["c1g1"], p["c1e1"]),
                  (p["c1w2"], p["c1b2"], p["c1g2"], p["c1e2"])])
    x = econv(x, [(p["c2w1"], p["c2b1"], p["c2g1"], p["c2e1"]),
                  (p["c2w2"], p["c2b2"], p["c2g2"], p["c2e2"])])
    x = econv(x, [(p["c3w1"], p["c3b1"], p["c3g1"], p["c3e1"])])

    counts = jnp.zeros((B,), x.dtype).at[batch].add(1.0)
    summed = jnp.zeros((B, x.shape[-1]), x.dtype).at[batch].add(x)
    gmean = summed / jnp.clip(counts, 1.0)[:, None]
    gmax = jnp.zeros((B, x.shape[-1]), x.dtype).at[batch].max(x)
    feat = jnp.concatenate([gmean, gmax], axis=-1)

    h = jax.nn.relu(_bn(feat @ p["fw1"] + p["fb1"], p["fg1"], p["fe1"]))
    # dropout is identity in eval mode
    h = jax.nn.relu(h @ p["fw2"] + p["fb2"])
    logits = h @ p["fw3"] + p["fb3"]
    return jax.nn.log_softmax(logits, axis=1)

def reference(x, params, edge_index, batch):
    return _forward(x, params, edge_index, batch)

if __name__ == "__main__":
    import jax
    _d = setup_inputs()
    print(jax.jit(kernel)(*tuple(_d.values())))

</pallas_src>

<mosaic_0001>
#map = affine_map<(d0, d1) -> (0)>
module attributes {stable_mosaic.version = 14 : i64} {
  func.func @_partition_body(%arg0: i32, %arg1: i32, %arg2: memref<160000xi32, #tpu.memory_space<hbm>>, %arg3: memref<5570560xi32, #tpu.memory_space<hbm>>, %arg4: memref<5570560xi32, #tpu.memory_space<hbm>>, %arg5: memref<40960xi32, #tpu.memory_space<hbm>>, %arg6: memref<2000xi32, #tpu.memory_space<vmem>>, %arg7: memref<2176xi32, #tpu.memory_space<vmem>>, %arg8: memref<2176xi32, #tpu.memory_space<vmem>>, %arg9: memref<1280xi32, #tpu.memory_space<vmem>>) attributes {dimension_semantics = [#tpu.dimension_semantics<core_parallel>, #tpu.dimension_semantics<subcore_parallel>], iteration_bounds = array<i64: 2, 16>, scalar_prefetch = 0 : i64, scratch_operands = 4 : i64, tpu.core_type = #tpu.core_type<sc_vector_subcore>, window_params = [{transform_indices = #map}, {transform_indices = #map}, {transform_indices = #map}, {transform_indices = #map}]} {
    %iota3A = tpu.iota {dimensions = array<i32: 0>} : vector<16xi32>
    %mul3A = arith.constant 2 : i32
    %mul3A_0 = arith.muli %arg1, %mul3A : i32
    %add3A = arith.addi %mul3A_0, %arg0 : i32
    %mul3A_1 = arith.constant 320 : i32
    %mul3A_2 = arith.muli %add3A, %mul3A_1 : i32
    %scan3A = arith.constant 0 : i32
    %scan3A_3 = arith.constant 0 : i32
    %scan3A_4 = arith.constant 80 : i32
    %scan3A_5 = arith.addi %scan3A_3, %scan3A_4 : i32
    %scan3A_6 = arith.constant 1 : i32
    %scan3A_7 = scf.for %scan3A_13 = %scan3A_3 to %scan3A_5 step %scan3A_6 iter_args(%scan3A_14 = %scan3A) -> (i32)  : i32 {
      %mul3A_15 = arith.constant 2000 : i32
      %mul3A_16 = arith.muli %scan3A_13, %mul3A_15 : i32
      "tpu.region"() ({
        %run_scoped3A = tpu.sem_alloc : memref<!tpu.dma_semaphore, #tpu.memory_space<semaphore_mem>>
        %dma_start3A = tpu.memref_slice %arg2[%mul3A_16] : memref<160000xi32, #tpu.memory_space<hbm>> -> memref<2000xi32, #tpu.memory_space<hbm>>
        %dma_start3A_85 = tpu.memref_slice %arg2[%mul3A_16] : memref<160000xi32, #tpu.memory_space<hbm>> -> memref<2000xi32, #tpu.memory_space<hbm>>
        tpu.enqueue_dma source(%dma_start3A_85 : memref<2000xi32, #tpu.memory_space<hbm>>) target(%arg6 : memref<2000xi32, #tpu.memory_space<vmem>>) target_semaphore(%run_scoped3A : memref<!tpu.dma_semaphore, #tpu.memory_space<semaphore_mem>>)
        %dma_wait3A = tpu.memref_slice %arg2[%mul3A_16] : memref<160000xi32, #tpu.memory_space<hbm>> -> memref<2000xi32, #tpu.memory_space<hbm>>
        %dma_wait3A_86 = tpu.memref_slice %arg2[%mul3A_16] : memref<160000xi32, #tpu.memory_space<hbm>> -> memref<2000xi32, #tpu.memory_space<hbm>>
        tpu.wait_dma2 semaphore(%run_scoped3A : memref<!tpu.dma_semaphore, #tpu.memory_space<semaphore_mem>>) src(%dma_wait3A_86 : memref<2000xi32, #tpu.memory_space<hbm>>) dst(%arg6 : memref<2000xi32, #tpu.memory_space<vmem>>)
        tpu.yield
      }) : () -> ()
      %scan3A_17 = arith.constant 0 : i32
      %scan3A_18 = arith.constant 0 : i32
      %scan3A_19 = arith.constant 125 : i32
      %scan3A_20 = arith.addi %scan3A_18, %scan3A_19 : i32
      %scan3A_21 = arith.constant 1 : i32
      %scan3A_22 = scf.for %scan3A_85 = %scan3A_18 to %scan3A_20 step %scan3A_21 iter_args(%scan3A_86 = %scan3A_17) -> (i32)  : i32 {
        %mul3A_87 = arith.constant 16 : i32
        %mul3A_88 = arith.muli %scan3A_85, %mul3A_87 : i32
        %get3A = arith.index_cast %mul3A_88 : i32 to index
        %get3A_89 = tpu.vector_load %arg6[%get3A] {strides = array<i32>} : memref<2000xi32, #tpu.memory_space<vmem>>, vector<16xi32>,
        %ge3A = vector.broadcast %mul3A_2 : i32 to vector<16xi32>
        %ge3A_90 = arith.cmpi sge, %get3A_89, %ge3A : vector<16xi32>
        %add3A_91 = arith.constant 320 : i32
        %add3A_92 = arith.addi %mul3A_2, %add3A_91 : i32
        %lt3A = vector.broadcast %add3A_92 : i32 to vector<16xi32>
        %lt3A_93 = arith.cmpi slt, %get3A_89, %lt3A : vector<16xi32>
        %and3A_94 = arith.andi %ge3A_90, %lt3A_93 : vector<16xi1>
        %mul3A_95 = arith.constant 16 : i32
        %mul3A_96 = arith.muli %scan3A_85, %mul3A_95 : i32
        %add3A_97 = arith.addi %mul3A_16, %mul3A_96 : i32
        %add3A_98 = vector.broadcast %add3A_97 : i32 to vector<16xi32>
        %add3A_99 = arith.addi %add3A_98, %iota3A : vector<16xi32>
        %convert_element_type3A = arith.extui %and3A_94 : vector<16xi1> to vector<16xi32>
        %cumsum3A = arith.constant true
        %cumsum3A_100 = vector.broadcast %cumsum3A : i1 to vector<16xi1>
        %cumsum3A_101 = tpu.scan <sum>, %convert_element_type3A masked %cumsum3A_100 : vector<16xi32>, vector<16xi1> -> vector<16xi32>
        %add3A_102 = vector.broadcast %scan3A_86 : i32 to vector<16xi32>
        %add3A_103 = arith.addi %add3A_102, %cumsum3A_101 : vector<16xi32>
        %sub3A_104 = arith.constant 1 : i32
        %sub3A_105 = vector.broadcast %sub3A_104 : i32 to vector<16xi32>
        %sub3A_106 = arith.subi %add3A_103, %sub3A_105 : vector<16xi32>
        tpu.vector_store_idx %arg7[%sub3A_106], %add3A_99 masked %and3A_94 : memref<2176xi32, #tpu.memory_space<vmem>>[vector<16xi32>], vector<16xi32>, vector<16xi1>
        %sub3A_107 = vector.broadcast %mul3A_2 : i32 to vector<16xi32>
        %sub3A_108 = arith.subi %get3A_89, %sub3A_107 : vector<16xi32>
        tpu.vector_store_idx %arg8[%sub3A_106], %sub3A_108 masked %and3A_94 : memref<2176xi32, #tpu.memory_space<vmem>>[vector<16xi32>], vector<16xi32>, vector<16xi1>
        %reduce_max3A = arith.constant true
        %reduce_max3A_109 = vector.broadcast %reduce_max3A : i1 to vector<16xi1>
        %reduce_max3A_110 = arith.constant -2147483648 : i32
        %reduce_max3A_111 = vector.broadcast %reduce_max3A_110 : i32 to vector<16xi32>
        %reduce_max3A_112 = arith.xori %cumsum3A_101, %reduce_max3A_111 : vector<16xi32>
        %reduce_max3A_113 = tpu.scan <max>, %reduce_max3A_112 masked %reduce_max3A_109 : vector<16xi32>, vector<16xi1> -> vector<16xi32>
        %reduce_max3A_114 = arith.xori %reduce_max3A_113, %reduce_max3A_111 : vector<16xi32>
        %reduce_max3A_115 = vector.extract %reduce_max3A_114[15] : i32 from vector<16xi32>
        %add3A_116 = arith.addi %scan3A_86, %reduce_max3A_115 : i32
        scf.yield %add3A_116 : i32
      }
      %scan3A_23 = arith.constant 125 : i32
      %broadcast_in_dim3A = arith.constant 0 : i32
      %broadcast_in_dim3A_24 = vector.broadcast %broadcast_in_dim3A : i32 to vector<16xi32>
      %add3A_25 = arith.constant 0 : i32
      %add3A_26 = arith.addi %scan3A_22, %add3A_25 : i32
      %swap3A = arith.index_cast %add3A_26 : i32 to index
      %swap3A_27 = tpu.vector_load %arg7[%swap3A] {strides = array<i32>} : memref<2176xi32, #tpu.memory_space<vmem>>, vector<16xi32>,
      tpu.vector_store %arg7[%swap3A], %broadcast_in_dim3A_24 {strides = array<i32>} : memref<2176xi32, #tpu.memory_space<vmem>>, vector<16xi32>,
      %broadcast_in_dim3A_28 = arith.constant 320 : i32
      %broadcast_in_dim3A_29 = vector.broadcast %broadcast_in_dim3A_28 : i32 to vector<16xi32>
      %add3A_30 = arith.constant 0 : i32
      %add3A_31 = arith.addi %scan3A_22, %add3A_30 : i32
      %swap3A_32 = arith.index_cast %add3A_31 : i32 to index
      %swap3A_33 = tpu.vector_load %arg8[%swap3A_32] {strides = array<i32>} : memref<2176xi32, #tpu.memory_space<vmem>>, vector<16xi32>,
      tpu.vector_store %arg8[%swap3A_32], %broadcast_in_dim3A_29 {strides = array<i32>} : memref<2176xi32, #tpu.memory_space<vmem>>, vector<16xi32>,
      %broadcast_in_dim3A_34 = arith.constant 0 : i32
      %broadcast_in_dim3A_35 = vector.broadcast %broadcast_in_dim3A_34 : i32 to vector<16xi32>
      %add3A_36 = arith.constant 16 : i32
      %add3A_37 = arith.addi %scan3A_22, %add3A_36 : i32
      %swap3A_38 = arith.index_cast %add3A_37 : i32 to index
      %swap3A_39 = tpu.vector_load %arg7[%swap3A_38] {strides = array<i32>} : memref<2176xi32, #tpu.memory_space<vmem>>, vector<16xi32>,
      tpu.vector_store %arg7[%swap3A_38], %broadcast_in_dim3A_35 {strides = array<i32>} : memref<2176xi32, #tpu.memory_space<vmem>>, vector<16xi32>,
      %broadcast_in_dim3A_40 = arith.constant 320 : i32
      %broadcast_in_dim3A_41 = vector.broadcast %broadcast_in_dim3A_40 : i32 to vector<16xi32>
      %add3A_42 = arith.constant 16 : i32
      %add3A_43 = arith.addi %scan3A_22, %add3A_42 : i32
      %swap3A_44 = arith.index_cast %add3A_43 : i32 to index
      %swap3A_45 = tpu.vector_load %arg8[%swap3A_44] {strides = array<i32>} : memref<2176xi32, #tpu.memory_space<vmem>>, vector<16xi32>,
      tpu.vector_store %arg8[%swap3A_44], %broadcast_in_dim3A_41 {strides = array<i32>} : memref<2176xi32, #tpu.memory_space<vmem>>, vector<16xi32>,
      %broadcast_in_dim3A_46 = arith.constant 0 : i32
      %broadcast_in_dim3A_47 = vector.broadcast %broadcast_in_dim3A_46 : i32 to vector<16xi32>
      %add3A_48 = arith.constant 32 : i32
      %add3A_49 = arith.addi %scan3A_22, %add3A_48 : i32
      %sub3A = arith.constant 1 : i32
      %sub3A_50 = arith.subi %add3A_49, %sub3A : i32
      %jit3A = arith.constant 32 : i32
      %div3A = arith.divsi %sub3A_50, %jit3A : i32
      %sign3A = arith.constant 0 : i32
      %sign3A_51 = arith.cmpi sgt, %sub3A_50, %sign3A : i32
      %sign3A_52 = arith.extui %sign3A_51 : i1 to i32
      %sign3A_53 = arith.constant 0 : i32
      %sign3A_54 = arith.cmpi slt, %sub3A_50, %sign3A_53 : i32
      %sign3A_55 = arith.extui %sign3A_54 : i1 to i32
      %sign3A_56 = arith.subi %sign3A_52, %sign3A_55 : i32
      %sign3A_57 = arith.constant 0 : i32
      %sign3A_58 = arith.cmpi sgt, %jit3A, %sign3A_57 : i32
      %sign3A_59 = arith.extui %sign3A_58 : i1 to i32
      %sign3A_60 = arith.constant 0 : i32
      %sign3A_61 = arith.cmpi slt, %jit3A, %sign3A_60 : i32
      %sign3A_62 = arith.extui %sign3A_61 : i1 to i32
      %sign3A_63 = arith.subi %sign3A_59, %sign3A_62 : i32
      %ne3A = arith.cmpi ne, %sign3A_56, %sign3A_63 : i32
      %rem3A = arith.remsi %sub3A_50, %jit3A : i32
      %ne3A_64 = arith.constant 0 : i32
      %ne3A_65 = arith.cmpi ne, %rem3A, %ne3A_64 : i32
      %and3A = arith.andi %ne3A, %ne3A_65 : i1
      %sub3A_66 = arith.constant 1 : i32
      %sub3A_67 = arith.subi %div3A, %sub3A_66 : i32
      %select_n3A = arith.select %and3A, %sub3A_67, %div3A : i32
      %add3A_68 = vector.broadcast %select_n3A : i32 to vector<16xi32>
      %add3A_69 = arith.addi %broadcast_in_dim3A_47, %add3A_68 : vector<16xi32>
      %mul3A_70 = arith.constant 16 : i32
      %mul3A_71 = arith.muli %scan3A_13, %mul3A_70 : i32
      %swap3A_72 = arith.index_cast %mul3A_71 : i32 to index
      %swap3A_73 = tpu.vector_load %arg9[%swap3A_72] {strides = array<i32>} : memref<1280xi32, #tpu.memory_space<vmem>>, vector<16xi32>,
      tpu.vector_store %arg9[%swap3A_72], %add3A_69 {strides = array<i32>} : memref<1280xi32, #tpu.memory_space<vmem>>, vector<16xi32>,
      %mul3A_74 = arith.constant 80 : i32
      %mul3A_75 = arith.muli %add3A, %mul3A_74 : i32
      %add3A_76 = arith.addi %mul3A_75, %scan3A_13 : i32
      %mul3A_77 = arith.constant 2176 : i32
      %mul3A_78 = arith.muli %add3A_76, %mul3A_77 : i32
      "tpu.region"() ({
        %run_scoped3A = tpu.sem_alloc : memref<!tpu.dma_semaphore, #tpu.memory_space<semaphore_mem>>
        %dma_start3A = tpu.memref_slice %arg3[%mul3A_78] : memref<5570560xi32, #tpu.memory_space<hbm>> -> memref<2176xi32, #tpu.memory_space<hbm>>
        %dma_start3A_85 = tpu.memref_slice %arg3[%mul3A_78] : memref<5570560xi32, #tpu.memory_space<hbm>> -> memref<2176xi32, #tpu.memory_space<hbm>>
        tpu.enqueue_dma source(%arg7 : memref<2176xi32, #tpu.memory_space<vmem>>) target(%dma_start3A_85 : memref<2176xi32, #tpu.memory_space<hbm>>) target_semaphore(%run_scoped3A : memref<!tpu.dma_semaphore, #tpu.memory_space<semaphore_mem>>)
        %dma_wait3A = tpu.memref_slice %arg3[%mul3A_78] : memref<5570560xi32, #tpu.memory_space<hbm>> -> memref<2176xi32, #tpu.memory_space<hbm>>
        %dma_wait3A_86 = tpu.memref_slice %arg3[%mul3A_78] : memref<5570560xi32, #tpu.memory_space<hbm>> -> memref<2176xi32, #tpu.memory_space<hbm>>
        tpu.wait_dma2 semaphore(%run_scoped3A : memref<!tpu.dma_semaphore, #tpu.memory_space<semaphore_mem>>) src(%arg7 : memref<2176xi32, #tpu.memory_space<vmem>>) dst(%dma_wait3A_86 : memref<2176xi32, #tpu.memory_space<hbm>>)
        tpu.yield
      }) : () -> ()
      %mul3A_79 = arith.constant 80 : i32
      %mul3A_80 = arith.muli %add3A, %mul3A_79 : i32
      %add3A_81 = arith.addi %mul3A_80, %scan3A_13 : i32
      %mul3A_82 = arith.constant 2176 : i32
      %mul3A_83 = arith.muli %add3A_81, %mul3A_82 : i32
      "tpu.region"() ({
        %run_scoped3A = tpu.sem_alloc : memref<!tpu.dma_semaphore, #tpu.memory_space<semaphore_mem>>
        %dma_start3A = tpu.memref_slice %arg4[%mul3A_83] : memref<5570560xi32, #tpu.memory_space<hbm>> -> memref<2176xi32, #tpu.memory_space<hbm>>
        %dma_start3A_85 = tpu.memref_slice %arg4[%mul3A_83] : memref<5570560xi32, #tpu.memory_space<hbm>> -> memref<2176xi32, #tpu.memory_space<hbm>>
        tpu.enqueue_dma source(%arg8 : memref<2176xi32, #tpu.memory_space<vmem>>) target(%dma_start3A_85 : memref<2176xi32, #tpu.memory_space<hbm>>) target_semaphore(%run_scoped3A : memref<!tpu.dma_semaphore, #tpu.memory_space<semaphore_mem>>)
        %dma_wait3A = tpu.memref_slice %arg4[%mul3A_83] : memref<5570560xi32, #tpu.memory_space<hbm>> -> memref<2176xi32, #tpu.memory_space<hbm>>
        %dma_wait3A_86 = tpu.memref_slice %arg4[%mul3A_83] : memref<5570560xi32, #tpu.memory_space<hbm>> -> memref<2176xi32, #tpu.memory_space<hbm>>
        tpu.wait_dma2 semaphore(%run_scoped3A : memref<!tpu.dma_semaphore, #tpu.memory_space<semaphore_mem>>) src(%arg8 : memref<2176xi32, #tpu.memory_space<vmem>>) dst(%dma_wait3A_86 : memref<2176xi32, #tpu.memory_space<hbm>>)
        tpu.yield
      }) : () -> ()
      %scan3A_84 = arith.constant 0 : i32
      scf.yield %scan3A_84 : i32
    }
    %scan3A_8 = arith.constant 80 : i32
    %mul3A_9 = arith.constant 80 : i32
    %mul3A_10 = arith.muli %add3A, %mul3A_9 : i32
    %mul3A_11 = arith.constant 16 : i32
    %mul3A_12 = arith.muli %mul3A_10, %mul3A_11 : i32
    "tpu.region"() ({
      %run_scoped3A = tpu.sem_alloc : memref<!tpu.dma_semaphore, #tpu.memory_space<semaphore_mem>>
      %dma_start3A = tpu.memref_slice %arg5[%mul3A_12] : memref<40960xi32, #tpu.memory_space<hbm>> -> memref<1280xi32, #tpu.memory_space<hbm>>
      %dma_start3A_13 = tpu.memref_slice %arg5[%mul3A_12] : memref<40960xi32, #tpu.memory_space<hbm>> -> memref<1280xi32, #tpu.memory_space<hbm>>
      tpu.enqueue_dma source(%arg9 : memref<1280xi32, #tpu.memory_space<vmem>>) target(%dma_start3A_13 : memref<1280xi32, #tpu.memory_space<hbm>>) target_semaphore(%run_scoped3A : memref<!tpu.dma_semaphore, #tpu.memory_space<semaphore_mem>>)
      %dma_wait3A = tpu.memref_slice %arg5[%mul3A_12] : memref<40960xi32, #tpu.memory_space<hbm>> -> memref<1280xi32, #tpu.memory_space<hbm>>
      %dma_wait3A_14 = tpu.memref_slice %arg5[%mul3A_12] : memref<40960xi32, #tpu.memory_space<hbm>> -> memref<1280xi32, #tpu.memory_space<hbm>>
      tpu.wait_dma2 semaphore(%run_scoped3A : memref<!tpu.dma_semaphore, #tpu.memory_space<semaphore_mem>>) src(%arg9 : memref<1280xi32, #tpu.memory_space<vmem>>) dst(%dma_wait3A_14 : memref<1280xi32, #tpu.memory_space<hbm>>)
      tpu.yield
    }) : () -> ()
    return
  }
}

</mosaic_0001>

<sc_bundles>
// kernel: _partition_sc.3.cloned.1.call-start
scs
__scs_entry_jumppad:
0x0: {  	(pc) =	sbr.rel $0x88, $3  }
0x1: {  	(tag) =	ssettag $0x0;
	lr =	simm.s32 $0x1  }
0x2: {  	[smem:$0x3FA0] =	sst lr;
	_ =	strace $0xD0000000  }
0x3: {  	_ = 	snop  }
0x4: {  	_ = 	snop  }
0x5: {  	_ = 	snop  }
0x6: {  	_ = 	snop  }
0x7: {  	_ = 	snop  }
__scs_overlays_trampoline_lowered:
0x8: {  	[smem:$0x3FAF] =	sst s0  }
0x9: {  	[smem:$0x3FB0] =	sst s1  }
0xa: {  	[smem:$0x3FB1] =	sst s2  }
0xb: {  	[smem:$0x3FB2] =	sst s3  }
0xc: {  	[smem:$0x3FB3] =	sst s4  }
0xd: {  	[smem:$0x3FB4] =	sst s5  }
0xe: {  	[smem:$0x3FB5] =	sst s6  }
0xf: {  	[smem:$0x3FB6] =	sst s7  }
0x10: {  	[smem:$0x3FB7] =	sst s8  }
0x11: {  	[smem:$0x3FB8] =	sst s9;
	s0 =	simm.s32 @!p0 $0x0  }
0x12: {  	s1 =	sld [smem:$0x3F9E];
	s0 =	simm.s32 @p0 $0x1  }
0x13: {  	[smem:$0x3FB9] =	sst s0;
	s0 =	simm.s32 @!p1 $0x0  }
0x14: {  	s2 =	sld [smem:$0x3F9D];
	s0 =	simm.s32 @p1 $0x1  }
0x15: {  	[smem:$0x3FBA] =	sst s0;
	s0 =	simm.s32 @!p2 $0x0  }
0x16: {  	s3 =	sld [smem:$0x3FDB];
	s0 =	simm.s32 @p2 $0x1  }
0x17: {  	s4 =	simm.s32 $0x1BF5;
	[smem:$0x3FBC] =	sst s0  }
0x18: {  	s0 =	sld [smem:$0x3F9F];
	_ =	swait.ge [sflag:s4], $0x0  }
0x19: {  	s7 =	sld [smem:$0x3FA0]  }
0x1a: {  	s8 =	sadd.s32 $0xFFFFE003, lr  }
0x1b: {  	s9 =	sadd.s32 $0xFFFFFEF7, lr;
	s5 =	simm.s32 $0xFFFFFFFF;
	p2 =	slt.u32 s8, $0xFFFFF086  }
0x1c: {  	p1 =	slt.u32 s9, $0xF7A;
	s5 =	simm.s32 @!p2 $0x0  }
0x1d: {  	s5 =	simm.s32 @p1 $0x1;
	p0 =	seq.s32 s7, s2  }
0x1e: {  	s7 =	smul.u32 @!p0 $0xF7A, s2;
	p2 =	seq.s32 @!p0 s5, $0x0  }
0x1f: {  	s9 =	smul.u32 $0xF7A, s1;
	s8 =	simm.s32 @!p0 $0x1BF5;
	p2 =	por !p2, p0  }
0x20: {  	[sflag:s8] =	ssyncset.s32 @!p0 $0xFFFFF086;
	s6 =	sadd.s32 @!p0 s3, s7;
	s7 =	simm.s32 @!p0 $0x108  }
0x21: {  	s3 =	sadd.s32 s3, s9;
	s6 =	sadd.s32 @!p0 $0x88, s6;
	s7 =	simm.s32 @p2 $0x1082  }
0x22: {  	[simem:s7], [sflag:s8] =	dma.local @!p0 [hbm:s6], $0xF7A  }
0x23: {  	s9 =	sor.u32 $0xD0000000, s2;
	s6 =	simm.s32 $0x108;
	_ =	swait.ge @!p0 [sflag:s8], $0x0  }
0x24: {  	s3 =	sadd.s32 $0x88, s3;
	s6 =	simm.s32 @!p1 $0x1082;
	[sflag:s4] =	ssyncset.s32 $0xFFFFF086  }
0x25: {  	[simem:s6], [sflag:s4] =	dma.local [hbm:s3], $0xF7A  }
0x26: {  	[smem:$0x3FA0] =	sst s1;
	(tag) =	ssettag s2;
	_ =	strace s9  }
0x27: {  	s1 =	sld [smem:$0x3FB0]  }
0x28: {  	s2 =	sld [smem:$0x3FB1]  }
0x29: {  	s4 =	sld [smem:$0x3FB3]  }
0x2a: {  	p0 =	seq.s32 s5, $0x0;
	s5 =	sld [smem:$0x3FB4]  }
0x2b: {  	s6 =	sld [smem:$0x3FB5]  }
0x2c: {  	s7 =	sld [smem:$0x3FB6]  }
0x2d: {  	s3 =	simm.s32 $0x108;
	s8 =	sld [smem:$0x3FB7]  }
0x2e: {  	s3 =	simm.s32 @!p0 $0x1082;
	s9 =	sld [smem:$0x3FB8]  }
0x2f: {  	lr =	sadd.s32 s0, s3;
	s0 =	sld [smem:$0x3FAF]  }
0x30: {  	s3 =	sld [smem:$0x3FB2]  }
0x31: {  	[smem:$0x3FBB] =	sst s10  }
0x32: {  	s10 =	sld [smem:$0x3FB9];
	_ =	sdelay $0x3  }
0x33: {  	p0 =	seq.s32 s10, $0x1;
	s10 =	sld [smem:$0x3FBB];
	_ =	sdelay $0x3  }
0x34: {  	[smem:$0x3FBB] =	sst s10  }
0x35: {  	s10 =	sld [smem:$0x3FBA];
	_ =	sdelay $0x3  }
0x36: {  	p1 =	seq.s32 s10, $0x1;
	s10 =	sld [smem:$0x3FBB];
	_ =	sdelay $0x3  }
0x37: {  	[smem:$0x3FBB] =	sst s10  }
0x38: {  	s10 =	sld [smem:$0x3FBC]  }
0x39: {  	_ = 	snop;
	(pc) =	sbr.ind lr, $3  }
0x3a: {  	_ = 	snop  }
0x3b: {  	_ = 	snop  }
0x3c: {  	p2 =	seq.s32 s10, $0x1;
	s10 =	sld [smem:$0x3FBB]  }
0x3d: {  	_ =	shalt  }
0x3e: {  	_ =	shalt  }
0x3f: {  	_ =	shalt  }
0x40: {  	_ =	shalt  }
0x41: {  	_ =	shalt  }
0x42: {  	_ =	shalt  }
0x43: {  	_ =	shalt  }
0x44: {  	_ =	shalt  }
0x45: {  	_ =	shalt  }
0x46: {  	_ =	shalt  }
0x47: {  	_ =	shalt  }
0x48: {  	_ =	shalt  }
0x49: {  	_ =	shalt  }
0x4a: {  	_ =	shalt  }
0x4b: {  	_ =	shalt  }
0x4c: {  	_ =	shalt  }
0x4d: {  	_ =	shalt  }
0x4e: {  	_ =	shalt  }
0x4f: {  	_ =	shalt  }
0x50: {  	_ =	shalt  }
0x51: {  	_ =	shalt  }
0x52: {  	_ =	shalt  }
0x53: {  	_ =	shalt  }
0x54: {  	_ =	shalt  }
0x55: {  	_ =	shalt  }
0x56: {  	_ =	shalt  }
0x57: {  	_ =	shalt  }
0x58: {  	_ =	shalt  }
0x59: {  	_ =	shalt  }
0x5a: {  	_ =	shalt  }
0x5b: {  	_ =	shalt  }
0x5c: {  	_ =	shalt  }
0x5d: {  	_ =	shalt  }
0x5e: {  	_ =	shalt  }
0x5f: {  	_ =	shalt  }
0x60: {  	_ =	shalt  }
0x61: {  	_ =	shalt  }
0x62: {  	_ =	shalt  }
0x63: {  	_ =	shalt  }
0x64: {  	_ =	shalt  }
0x65: {  	_ =	shalt  }
0x66: {  	_ =	shalt  }
0x67: {  	_ =	shalt  }
0x68: {  	_ =	shalt  }
0x69: {  	_ =	shalt  }
0x6a: {  	_ =	shalt  }
0x6b: {  	_ =	shalt  }
0x6c: {  	_ =	shalt  }
0x6d: {  	_ =	shalt  }
0x6e: {  	_ =	shalt  }
0x6f: {  	_ =	shalt  }
0x70: {  	_ =	shalt  }
0x71: {  	_ =	shalt  }
0x72: {  	_ =	shalt  }
0x73: {  	_ =	shalt  }
0x74: {  	_ =	shalt  }
0x75: {  	_ =	shalt  }
0x76: {  	_ =	shalt  }
0x77: {  	_ =	shalt  }
0x78: {  	_ =	shalt  }
0x79: {  	_ =	shalt  }
0x7a: {  	_ =	shalt  }
0x7b: {  	_ =	shalt  }
0x7c: {  	_ =	shalt  }
0x7d: {  	_ =	shalt  }
0x7e: {  	_ =	shalt  }
0x7f: {  	_ =	shalt  }
0x80: {  	_ =	shalt  }
0x81: {  	_ =	shalt  }
0x82: {  	_ =	shalt  }
0x83: {  	_ =	shalt  }
0x84: {  	_ =	shalt  }
0x85: {  	_ =	shalt  }
0x86: {  	_ =	shalt  }
0x87: {  	_ =	shalt  }
.Lfunc_end0:
.L_simem_size_0:
called_computation_lowered:
.L_overlay_start_0:
0x88: {  	s2 =	sld [smem:$0x3FD9]  }
0x89: {  	s3 =	sld [smem:$0x3FFE];
	_ =	sdelay $0x1  }
0x8a: {  	s1 =	srdreg.scid  }
0x8b: {  	s0 =	sand.u32 $0x1, s1  }
0x8c: {  	s15 =	sshll.u32 s0, $0xA;
	s2 =	sadd.s32 s3, s2  }
0x8d: {  	s2 =	sadd.s32 s2, s15  }
0x8e: {  	[smem:$0x3FC7] =	sst s2  }
0x8f: {  	_ = 	snop  }
0x90: {  	s2 =	sld [smem:$0x3FD0];
	_ =	sdelay $0x2  }
0x91: {  	s4 =	simm.s32 $0xA;
	s5 =	simm.s32 $0x10;
	s16 =	sld [smem:$0x3FC9]  }
0x92: {  	[smem:s5], [sflag:s4] =	dma.local [hbm:s2], $0x1  }
0x93: {  	_ =	swait.eq [sflag:s4], $0x1  }
0x94: {  	s17 =	sld [smem:$0x10];
	[sflag:s4] =	ssyncset.done $0x0  }
0x95: {  	s18 =	sld [smem:$0x11];
	[sflag:s4] =	ssyncadd.s32 $0xFFFFFFFF  }
0x96: {  	s19 =	sld [smem:$0x12];
	(tm) =	ssettm $0x1  }
0x97: {  	s6 =	sld [smem:$0x3FFB];
	_ =	sdelay $0x3  }
0x98: {  	_ =	strace s6  }
0x99: {  	s6 =	sld [smem:$0x3FFC];
	_ =	sdelay $0x3  }
0x9a: {  	_ =	strace s6  }
0x9b: {  	s6 =	sld [smem:$0x3FFD];
	_ =	sdelay $0x3  }
0x9c: {  	_ =	strace s6  }
0x9d: {  	_ =	strace $0x8FFFFFFF  }
0x9e: {  	s20 =	sld [smem:$0x3FDB];
	_ =	sdelay $0x1  }
0x9f: {  	s7 =	simm.s32 $_scs_section_size  }
0xa0: {  	s8 =	simm.s32 $_size__tile_overlayer_lowered;
	s9 =	simm.s32 $_tile_overlayer_lowered  }
0xa1: {  	s23 =	simm.s32 $0x1BFF;
	s22 =	sshll.u32 s9, $0x1;
	s6 =	sadd.s32 s7, s20  }
0xa2: {  	s10 =	simm.s32 $0x0;
	s21 =	sshll.u32 s8, $0x1;
	s8 =	sadd.s32 s22, s6  }
0xa3: {  	[timem:s10], [sflag:s23] =	dma.local [hbm:s8], s21  }
0xa4: {  	_ =	swait.ge [sflag:s23], s21  }
0xa5: {  	s7 =	ssub.s32 $0x0, s21;
	[sflag:s23] =	ssyncset.done $0x0  }
0xa6: {  	[sflag:s23] =	ssyncadd.s32 s7;
	_ =	sdelay $0x1  }
0xa7: {  	s24 =	simm.s32 $0x1B8B  }
0xa8: {  	_ =	swait.ge [sflag:s24], $0x1  }
0xa9: {  	[sflag:s24] =	ssyncset.done $0x0  }
0xaa: {  	s25 =	simm.s32 $0x1B8E;
	[sflag:s24] =	ssyncadd.s32 $0xFFFFFFFF  }
0xab: {  	s26 =	simm.s32 $execute0_lowered;
	[smem:$0x3FD2] =	sst s25  }
0xac: {  	s7 =	sshll.u32 s26, $0x1;
	_ =	strace $0x80000046;
	[dreg:$0x1] =	wrdreg $0xFFFFFFFF  }
0xad: {  	s28 =	simm.s32 $_size_execute0_lowered;
	s6 =	sadd.s32 s6, s7;
	[dreg:$0x0] =	wrdreg $0x0  }
0xae: {  	s7 =	sshll.u32 s28, $0x1;
	[dreg:$0x2] =	wrdreg s6  }
0xaf: {  	[dreg:$0x3] =	wrdreg s7  }
0xb0: {  	[dreg:$0x4] =	wrdreg $0xC0  }
0xb1: {  	_ =	task [dreg:s10], $0x5FFFF  }
0xb2: {  	[dreg:$0x1] =	wrdreg $0xFFFFFFFF  }
0xb3: {  	[dreg:$0x0] =	wrdreg $0x60  }
0xb4: {  	[dreg:$0x2] =	wrdreg s16  }
0xb5: {  	[dreg:$0x3] =	wrdreg s17  }
0xb6: {  	[dreg:$0x4] =	wrdreg s18  }
0xb7: {  	[dreg:$0x5] =	wrdreg s19  }
0xb8: {  	[dreg:$0x6] =	wrdreg $0x9  }
0xb9: {  	_ =	task.clear_ibuf [dreg:s10], $0x7FFFF;
	_ =	strace $0x90000046  }
0xba: {  	s29 =	simm.s32 $0x9;
	_ =	strace $0x80000048  }
0xbb: {  	_ =	swait.ge [sflag:s29], $0x1  }
0xbc: {  	[sflag:s29] =	ssyncadd.s32 $0xFFFFFFFF  }
0xbd: {  	_ =	strace $0x90000048  }
0xbe: {  	_ =	sfence  }
0xbf: {  	s30 =	sld [smem:$0x0];
	_ =	sdelay $0x2  }
0xc0: {  	s31 =	sshll.u32 s1, $0xD;
	s1 =	sshrl.u32 s1, $0x2  }
0xc1: {  	s3 =	sand.u32 $0x4000, s31;
	s1 =	sadd.s32 s1, s30  }
0xc2: {  	s0 =	sor.u32 s3, s0;
	s1 =	sshll.u32 s1, $0x11  }
0xc3: {  	s0 =	sor.u32 s1, s0  }
0xc4: {  	s0 =	sadd.s32 $0x8F2B, s0  }
0xc5: {  	[sflag:s0] =	ssyncadd.remote.s32 $0x1  }
0xc6: {  	_ =	sfence.sel $0xFFFF  }
0xc7: {  	[dreg:$0x0] =	wrdreg $0xFFFFFFFF;
	(pc) =	sbr.abs _section_cstart, $3  }
0xc8: {  	[dreg:$0x1] =	wrdreg $0xFFFFFFFF  }
0xc9: {  	_ =	task.clear_ibuf [dreg:s10], $0x2FFFF;
	_ =	strace $0x9FFFFFFF  }
0xca: {  	(tm) =	ssettm $0x7FFFFFFF  }
0xcb: {  	_ =	shalt  }
tec
execute0_lowered:
.L_overlay_start_1:
0x0: {  	(tag) =	ssettag $0x1  }
0x1: {  	s1 =	rddreg [dreg:$0x0]  }
0x2: {  	s2 =	rddreg [dreg:$0x1]  }
0x3: {  	s4 =	rddreg [dreg:$0x2];
	s3 =	srdreg.scid  }
0x4: {  	s0 =	stileid.u32;
	s7 =	rddreg [dreg:$0x3]  }
0x5: {  	s13 =	simm.s32 $0x0;
	s6 =	sand.u32 $0x1, s3;
	s5 =	sshll.u32 s0, $0x1  }
0x6: {  	s3 =	rddreg [dreg:$0x4];
	s8 =	sor.u32 s6, s5;
	s5 =	simm.s32 $0x0  }
0x7: {  	s6 =	ssub.s32 $0x2, s6;
	s9 =	smul.u32 $0x140, s8;
	[smem:$0x7FF] =	sst s5  }
0x8: {  	s10 =	sshrl.u32 s6, $0x1;
	s11 =	smul.u32 $0xA0, s8;
	_ =	strace $0x80000047  }
0x9: {  	s10 =	ssub.s32 s6, s10;
	s6 =	smul.u32 $0x50, s8;
	s12 =	sadd.s32 $0x140, s9  }
0xa: {  	v2 =	vlaneseq.u32;
	s7 =	sadd.s32 s7, s11;
	v0 =	vmov s9;
	s8 =	smax.u32 s10, $0x1;
	s9 =	simm.s32 $0x1  }
0xb: {  	v3 =	vimm.s32 $0x0;
	v4 =	vimm.s32 $0x140;
	s10 =	simm.s32 $0x800;
	s11 =	simm.s32 $0x1080;
	v1 =	vmov s12;
	s12 =	simm.s32 $0x1900  }
.LBB2_1:
0xc: {  	s14 =	simm.s32 $0x0;
	s15 =	simm.s32 $0x0  }
.LBB2_2:
0xd: {  	s16 =	smul.u32 $0x7D0, s15;
	_ =	sdelay $0x1  }
0xe: {  	s16 =	sshrl.u32 s16, $0x3  }
0xf: {  	s17 =	sadd.s32 s1, s16;
	s16 =	simm.s32 $0x0  }
0x10: {  	[tilespmem:s16], [sflag:$0x1] =	stream.linear.gather [hbm4b:s17+s16], $0x7D0, $0x38;
	[tilespmem:$0x1E00] =	vst v63  }
0x11: {  	_ =	swait.ge [sflag:s9], $0x7D0  }
0x12: {  	[sflag:s9] =	ssyncset.done $0x0  }
0x13: {  	s31 =	simm.s32 $0x0;
	[sflag:s9] =	ssyncadd.s32 $0xFFFFF830  }
0x14: {  	v5 =	vld [tilespmem:s31+$0x0];
	_ =	sdelay $0x4  }
0x15: {  	vm0 =	vge.s32 v5, v0;
	vm1 =	vlt.s32 v5, v1  }
0x16: {  	vm0 =	vmand vm0, vm1  }
0x17: {  	v6 =	vsel vm0, $0x1, v3  }
0x18: {  	(xrf0) =	vadd.scan.msk.s32 $0xffff, v6;
	_ =	sdelay $0x5  }
0x19: {  	v7, _, _ =	vpop (xrf0)  }
0x1a: {  	v6 =	vmov s16;
	v8 =	vxor.u32 $0x80000000, v7  }
0x1b: {  	v6 =	vadd.s32 $0xFFFFFFFF, v6;
	(xrf0) =	vmax.scan.msk.u32 $0xffff, v8  }
0x1c: {  	v6 =	vbroadcast v6, $0x0;
	_ =	sdelay $0x1  }
0x1d: {  	v6 =	vadd.s32 v7, v6;
	_ =	sdelay $0x2  }
0x1e: {  	v8, _, _ =	vpop (xrf0)  }
0x1f: {  	v7 =	vor.u32 s14, v2;
	(v2sf) =	vpush v8, $0xF  }
0x20: {  	v5 =	vsub.s32 v5, v0;
	[tilespmem:v6+s10+$0x0] =	vst.idx.msk vm0, v7  }
0x21: {  	s19 =	simm.s32 $0x10;
	s18 =	simm.s32 $0x80;
	s17 =	smov.u32 s14;
	[tilespmem:v6+s11+$0x0] =	vst.idx.msk vm0, v5  }
.LBB2_3:
0x22: {  	p0 =	sne.s32 s18, $0x1F00;
	v5 =	vld [tilespmem:s19+$0x0];
	_ =	sdelay $0x4  }
0x23: {  	vm0 =	vge.s32 v5, v0;
	vm1 =	vlt.s32 v5, v1;
	v5 =	vsub.s32 v5, v0  }
0x24: {  	vm0 =	vmand vm0, vm1  }
0x25: {  	v6 =	vsel vm0, $0x1, v3  }
0x26: {  	(xrf0) =	vadd.scan.msk.s32 $0xffff, v6;
	_ =	sdelay $0x3  }
0x27: {  	s19 =	spop (v2sf)  }
0x28: {  	s16 =	sadd.s32 s19, s16  }
0x29: {  	v6, _, _ =	vpop (xrf0);
	s16 =	sadd.s32 $0x80000000, s16  }
0x2a: {  	v7 =	vmov s16;
	v8 =	vxor.u32 $0x80000000, v6  }
0x2b: {  	v7 =	vadd.s32 $0xFFFFFFFF, v7;
	(xrf0) =	vmax.scan.msk.u32 $0xffff, v8  }
0x2c: {  	v7 =	vbroadcast v7, $0x0;
	_ =	sdelay $0x1  }
0x2d: {  	v6 =	vadd.s32 v6, v7;
	_ =	sdelay $0x1  }
.Ltmp0:
0x2e: {  	(pc) =	sbr.rel @p0 .LBB2_3-.Ltmp0, $4  }
0x2f: {  	s17 =	sadd.s32 $0x10, s17;
	v7, _, _ =	vpop (xrf0)  }
0x30: {  	v8 =	vor.u32 s17, v2;
	(v2sf) =	vpush v7, $0xF  }
0x31: {  	[tilespmem:v6+s10+$0x0] =	vst.idx.msk vm0, v8  }
0x32: {  	s19 =	sshra.s32 s18, $0x2;
	s18 =	sadd.s32 $0x40, s18;
	[tilespmem:v6+s11+$0x0] =	vst.idx.msk vm0, v5  }
0x33: {  	v5 =	vld [tilespmem:s19+$0x0];
	_ =	sdelay $0x4  }
0x34: {  	vm0 =	vge.s32 v5, v0;
	vm1 =	vlt.s32 v5, v1  }
0x35: {  	vm0 =	vmand vm0, vm1  }
0x36: {  	v6 =	vsel vm0, $0x1, v3  }
0x37: {  	(xrf0) =	vadd.scan.msk.s32 $0xffff, v6;
	_ =	sdelay $0x5  }
0x38: {  	v6, _, _ =	vpop (xrf0)  }
0x39: {  	v7 =	vxor.u32 $0x80000000, v6  }
0x3a: {  	(xrf0) =	vmax.scan.msk.u32 $0xffff, v7;
	_ =	sdelay $0x5  }
0x3b: {  	v7, _, _ =	vpop (xrf0)  }
0x3c: {  	(v2sf) =	vpush v7, $0xF;
	_ =	sdelay $0x7  }
0x3d: {  	s18 =	spop (v2sf)  }
0x3e: {  	s16 =	sadd.s32 s18, s16  }
0x3f: {  	s16 =	sadd.s32 $0x80000000, s16  }
0x40: {  	v7 =	vmov s16  }
0x41: {  	v7 =	vadd.s32 $0xFFFFFFFF, v7  }
0x42: {  	v7 =	vbroadcast v7, $0x0;
	_ =	sdelay $0x1  }
0x43: {  	v6 =	vadd.s32 v6, v7;
	s21 =	spop (v2sf)  }
0x44: {  	s16 =	sadd.s32 s21, s16  }
0x45: {  	s16 =	sadd.s32 $0x80000000, s16  }
0x46: {  	s17 =	sadd.s32 $0x10, s17;
	s22 =	sadd.s32 $0x1F, s16  }
0x47: {  	v7 =	vor.u32 s17, v2;
	s23 =	sand.u32 $0x1F, s22  }
0x48: {  	v5 =	vsub.s32 v5, v0;
	[tilespmem:v6+s10+$0x0] =	vst.idx.msk vm0, v7;
	s24 =	sshra.s32 s22, $0x1F;
	p0 =	slt.s32 s22, $0x1;
	p1 =	sne.s32 s23, $0x0  }
0x49: {  	[tilespmem:v6+s11+$0x0] =	vst.idx.msk vm0, v5;
	s25 =	sshrl.u32 s24, $0x1B;
	p0 =	por !p0, !p1  }
0x4a: {  	s18 =	simm.s32 $0x1;
	[tilespmem:s16+$0x800] =	vst v3;
	s17 =	sadd.s32 s25, s22;
	p0 =	por !p0, !p0  }
0x4b: {  	s26 =	sadd.s32 s6, s15;
	[tilespmem:s16+$0x1080] =	vst v4;
	s17 =	sshra.s32 s17, $0x5;
	s18 =	simm.s32 @!p0 $0x0  }
0x4c: {  	s28 =	sshll.u32 s15, $0x4;
	s19 =	smul.u32 $0x110, s26;
	[tilespmem:s16+$0x810] =	vst v3;
	s17 =	ssub.s32 s17, s18  }
0x4d: {  	s29 =	sand.u32 $0x3FFFFFF0, s28;
	[tilespmem:s16+$0x1090] =	vst v4;
	v5 =	vmov s17  }
0x4e: {  	s30 =	sadd.s32 s2, s19;
	[tilespmem:s29+$0x1900] =	vst v5  }
0x4f: {  	[hbm4b:s30+s5] =	stream.linear.scatter [tilespmem:s10], [sflag:$0x1], $0x880, $0x38;
	[tilespmem:$0x1E00] =	vst v63  }
0x50: {  	s15 =	sadd.s32 $0x1, s15;
	_ =	swait.ge [sflag:s9], $0x880  }
0x51: {  	p0 =	sne.s32 s15, $0x50;
	[sflag:s9] =	ssyncset.done $0x0  }
.Ltmp1:
0x52: {  	s31 =	sadd.s32 s4, s19;
	[sflag:s9] =	ssyncadd.s32 $0xFFFFF780;
	(pc) =	sbr.rel @p0 .LBB2_2-.Ltmp1, $4  }
0x53: {  	[hbm4b:s31+s5] =	stream.linear.scatter [tilespmem:s11], [sflag:$0x1], $0x880, $0x38;
	[tilespmem:$0x1E00] =	vst v63  }
0x54: {  	_ =	swait.ge [sflag:s9], $0x880  }
0x55: {  	[sflag:s9] =	ssyncset.done $0x0  }
0x56: {  	s14 =	sadd.s32 $0x7D0, s14;
	[sflag:s9] =	ssyncadd.s32 $0xFFFFF780  }
0x57: {  	s13 =	sadd.s32 $0x1, s13  }
0x58: {  	p0 =	sne.s32 s13, s8  }
.Ltmp2:
0x59: {  	_ = 	snop;
	(pc) =	sbr.rel @p0 .LBB2_1-.Ltmp2, $4  }
0x5a: {  	[hbm4b:s7+s5] =	stream.linear.scatter [tilespmem:s12], [sflag:$0x1], $0x500, $0x38;
	[tilespmem:$0x1E00] =	vst v63  }
0x5b: {  	_ =	swait.ge [sflag:s9], $0x500  }
0x5c: {  	[sflag:s9] =	ssyncset.done $0x0  }
0x5d: {  	[sflag:s9] =	ssyncadd.s32 $0xFFFFFB00  }
0x5e: {  	_ =	sfence.sel $0x180000  }
0x5f: {  	[bflag:$0x0] =	sbarrier.arrive $0xFFFF  }
0x60: {  	p0 =	sne.s32 s0, $0x0;
	_ =	strace $0x90000047  }
0x61: {  	s0 =	sadd.s32 @!p0 $0x100000, s3;
	[bflag:$0x2] =	sbarrier.arrive $0xFFFF  }
0x62: {  	[sflag:s0] =	ssyncadd.tile.s32 @!p0 $0x1;
	_ =	shalt  }
.Lfunc_end2:
_tile_overlayer_lowered:
.L_overlay_start_2:
0x63: {  	(tag) =	ssettag $0x2  }
0x64: {  	s0 =	rddreg [dreg:$0x0];
	s2 =	stileid.u32  }
0x65: {  	s1 =	rddreg [dreg:$0x1];
	p0 =	sne.s32 s2, $0x0  }
0x66: {  	s3 =	rddreg [dreg:$0x2];
	[bflag:$0x3] =	sbarrier.arrive $0xFFFF;
	s2 =	simm.s32 @!p0 $0x1C01  }
0x67: {  	[timem:s3], [sflag:s2] =	dma.local @!p0 [hbm:s0], s1  }
0x68: {  	s0 =	simm.s32 @!p0 $0x1  }
0x69: {  	_ =	swait.ge @!p0 [sflag:s0], s1  }
0x6a: {  	s1 =	ssub.s32 @!p0 $0x0, s1;
	[sflag:s0] =	ssyncset.done @!p0 $0x0  }
0x6b: {  	[sflag:s0] =	ssyncadd.s32 @!p0 s1  }
0x6c: {  	[bflag:$0x3] =	sbarrier.arrive $0xFFFF  }
0x6d: {  	_ =	shalt  }

</sc_bundles>
